<compile_context>
chip_gen: v7x
topology: tpu7x:2x2x1
jax: 0.10.2.dev20260603
libtpu: 0.0.44.dev20260713+nightly
codegen_flags: <defaults>
</compile_context>

<pallas_src>
import functools

import jax
import jax.numpy as jnp
from jax import lax
from jax.experimental import pallas as pl
from jax.experimental.pallas import tpu as pltpu
from jax.experimental.pallas import tpu_sc as plsc

B = 8
CIN = 3
H = 512
W = 512
PATCH = 32
GH = 16
GW = 16
CODE_DIM = 256
K = 8192
PD = CIN * PATCH * PATCH
N = B * GH * GW

ROW_BLK = 256
CB_BLK = 1024
N_ROW = N // ROW_BLK
N_CB = K // CB_BLK


def _vq_body(x_ref, we_ref, cb_ref, out_ref, cn_ref):
    i = pl.program_id(0)
    x5 = x_ref[0].reshape(CIN, GH, PATCH, GW, PATCH)
    p = x5.transpose(1, 3, 0, 2, 4).reshape(GH * GW, PD)
    z = jnp.dot(p, we_ref[...], preferred_element_type=jnp.float32)

    @pl.when(i == 0)
    def _norms():
        for j in range(N_CB):
            cbj = cb_ref[pl.ds(j * CB_BLK, CB_BLK), :]
            cn_ref[pl.ds(j * CB_BLK, CB_BLK), :] = jnp.sum(
                cbj * cbj, axis=1, keepdims=True)

    best_m = jnp.full((1, ROW_BLK), jnp.inf, dtype=jnp.float32)
    best_i = jnp.zeros((1, ROW_BLK), dtype=jnp.int32)
    for j in range(N_CB):
        cbj = cb_ref[pl.ds(j * CB_BLK, CB_BLK), :]
        st = lax.dot_general(cbj, z, (((1,), (1,)), ((), ())),
                             preferred_element_type=jnp.float32)
        dt = cn_ref[pl.ds(j * CB_BLK, CB_BLK), :] - 2.0 * st
        m = jnp.min(dt, axis=0, keepdims=True)
        ii = lax.broadcasted_iota(jnp.int32, dt.shape, 0)
        am = jnp.min(jnp.where(dt <= m, ii, K), axis=0, keepdims=True) + j * CB_BLK
        upd = m < best_m
        best_i = jnp.where(upd, am, best_i)
        best_m = jnp.where(upd, m, best_m)
    out_ref[...] = best_i.reshape(1, 1, ROW_BLK)


def _vq_indices(x, W_enc, codebook):
    nimg = x.shape[0]
    out = pl.pallas_call(
        _vq_body,
        grid=(nimg,),
        in_specs=[
            pl.BlockSpec((1, CIN, H, W), lambda i: (i, 0, 0, 0)),
            pl.BlockSpec((PD, CODE_DIM), lambda i: (0, 0)),
            pl.BlockSpec((K, CODE_DIM), lambda i: (0, 0)),
        ],
        out_specs=pl.BlockSpec((1, 1, ROW_BLK), lambda i: (i, 0, 0)),
        out_shape=jax.ShapeDtypeStruct((nimg, 1, ROW_BLK), jnp.int32),
        scratch_shapes=[
            pltpu.VMEM((K, 1), jnp.float32),
        ],
        compiler_params=pltpu.CompilerParams(
            dimension_semantics=("arbitrary",),
        ),
    )(x, W_enc, codebook)
    return out.reshape(nimg * ROW_BLK)


NW = 32


def _sc_gather_body(n_rows, cb_hbm, idx_hbm, out_hbm, idx_v, rows_v, sem):
    b_per_w = n_rows // NW
    wid = lax.axis_index("s") * 2 + lax.axis_index("c")
    base = wid * b_per_w
    pltpu.sync_copy(idx_hbm.at[pl.ds(base, b_per_w)], idx_v)
    pltpu.async_copy(cb_hbm.at[idx_v], rows_v, sem).wait()
    pltpu.sync_copy(rows_v, out_hbm.at[pl.ds(base, b_per_w)])


def _sc_gather(codebook, inds):
    n_rows = inds.shape[0]
    b_per_w = n_rows // NW
    k = functools.partial(
        pl.kernel,
        out_type=jax.ShapeDtypeStruct((n_rows, CODE_DIM), jnp.float32),
        mesh=plsc.VectorSubcoreMesh(core_axis_name="c", subcore_axis_name="s"),
        scratch_types=[
            pltpu.VMEM((b_per_w,), jnp.int32),
            pltpu.VMEM((b_per_w, CODE_DIM), jnp.float32),
            pltpu.SemaphoreType.DMA,
        ],
    )(functools.partial(_sc_gather_body, n_rows))
    return k(codebook, inds)


def _dec_body(hq_ref, wd_ref, out_ref):
    op = jnp.dot(hq_ref[...], wd_ref[...],
                 preferred_element_type=jnp.float32).astype(jnp.bfloat16)
    op5 = op.reshape(GH, GW, CIN, PATCH, PATCH)
    t = op5.transpose(2, 0, 3, 1, 4).reshape(1, CIN, H, W)
    out_ref[...] = t.astype(jnp.float32)


def _decode(hq, W_dec):
    return pl.pallas_call(
        _dec_body,
        grid=(N_ROW,),
        in_specs=[
            pl.BlockSpec((ROW_BLK, CODE_DIM), lambda i: (i, 0)),
            pl.BlockSpec((CODE_DIM, PD), lambda i: (0, 0)),
        ],
        out_specs=pl.BlockSpec((1, CIN, H, W), lambda i: (i, 0, 0, 0)),
        out_shape=jax.ShapeDtypeStruct((B, CIN, H, W), jnp.float32),
        compiler_params=pltpu.CompilerParams(
            dimension_semantics=("parallel",),
        ),
    )(hq, W_dec)


def kernel(x, W_enc, codebook, W_dec):
    inds = _vq_indices(x, W_enc, codebook)
    hq = _sc_gather(codebook, inds)
    return _decode(hq.astype(jnp.bfloat16), W_dec.astype(jnp.bfloat16))

# --- scband reference (transcript-rebuilt; emitter-appended) ---
"""Pipeline reference for scband-aeinteger-wrapper-22505628631587 (READ-ONLY COPY).

The authoritative reference and input builder live on the scoring server;
editing this copy changes nothing except your own understanding.
"""

import jax, jax.numpy as jnp
import numpy as np

B = 8
CIN = 3
H = 512
W = 512
PATCH = 32
GH = 16
GW = 16
CODE_DIM = 256
K = 8192
PD = CIN * PATCH * PATCH  # 3072


def patchify(x):
    # x: [B, C, H, W] -> [B, GH, GW, C*PATCH*PATCH]
    b, c, h, w = x.shape
    x = x.reshape(b, c, GH, PATCH, GW, PATCH)
    x = x.transpose(0, 2, 4, 1, 3, 5)
    return x.reshape(b, GH, GW, c * PATCH * PATCH)


def unpatchify(x):
    # x: [B, GH, GW, C*PATCH*PATCH] -> [B, C, H, W]
    b = x.shape[0]
    x = x.reshape(b, GH, GW, CIN, PATCH, PATCH)
    x = x.transpose(0, 3, 1, 4, 2, 5)
    return x.reshape(b, CIN, H, W)


def setup_inputs(seed: int = 0) -> dict:
    key = jax.random.key(seed)
    k1, k2, k3, k4 = jax.random.split(key, 4)
    x = jax.random.normal(k1, (B, CIN, H, W), dtype=jnp.float32)
    W_enc = jax.random.normal(k2, (PD, CODE_DIM), dtype=jnp.float32) * (1.0 / np.sqrt(PD))
    codebook = jax.random.normal(k3, (K, CODE_DIM), dtype=jnp.float32)
    W_dec = jax.random.normal(k4, (CODE_DIM, PD), dtype=jnp.float32) * (1.0 / np.sqrt(CODE_DIM))
    return {"x": x, "W_enc": W_enc, "codebook": codebook, "W_dec": W_dec}


def reference(x, W_enc, codebook, W_dec):
    # ---- wrapper.encode(x): model.encode -> VQ regularization -> min_encoding_indices ----
    z = patchify(x) @ W_enc  # [B, GH, GW, CODE_DIM]  (model encoder)
    zf = z.reshape(-1, CODE_DIM)
    # squared L2 distance to every codebook entry
    d = (
        jnp.sum(zf ** 2, axis=1, keepdims=True)
        - 2.0 * (zf @ codebook.T)
        + jnp.sum(codebook ** 2, axis=1)[None, :]
    )  # [B*GH*GW, K]
    inds = jnp.argmin(d, axis=1)  # min_encoding_indices
    # rearrange 'b ... -> b (...)'
    inds = inds.reshape(B, GH * GW)
    # ---- wrapper.decode(inds): rearrange 'b (h w) -> b h w' ----
    inds_hw = inds.reshape(B, GH, GW)
    # regularization.get_codebook_entry(inds) -> [b, h, w, c]
    hq = jnp.take(codebook, inds_hw, axis=0)  # [B, GH, GW, CODE_DIM]
    # rearrange 'b h w c -> b c h w'
    hq = hq.transpose(0, 3, 1, 2)
    # model.decode(h): project each latent back to a pixel patch
    hq = hq.transpose(0, 2, 3, 1)  # [B, GH, GW, CODE_DIM]
    out = unpatchify(hq @ W_dec)  # [B, CIN, H, W]
    return out

if __name__ == "__main__":
    import jax
    _d = setup_inputs()
    print(jax.jit(kernel)(*tuple(_d.values())))

</pallas_src>

<mosaic_0001>
#map = affine_map<(d0, d1) -> (0, 0)>
#map1 = affine_map<(d0, d1) -> (0)>
module attributes {stable_mosaic.version = 14 : i64} {
  func.func @_sc_gather_body(%arg0: i32, %arg1: i32, %arg2: memref<8192x256xf32, #tpu.memory_space<hbm>>, %arg3: memref<2048xi32, #tpu.memory_space<hbm>>, %arg4: memref<2048x256xf32, #tpu.memory_space<hbm>>, %arg5: memref<64xi32, #tpu.memory_space<vmem>>, %arg6: memref<64x256xf32, #tpu.memory_space<vmem>>, %arg7: memref<!tpu.dma_semaphore, #tpu.memory_space<semaphore_mem>>) attributes {dimension_semantics = [#tpu.dimension_semantics<core_parallel>, #tpu.dimension_semantics<subcore_parallel>], iteration_bounds = array<i64: 2, 16>, scalar_prefetch = 0 : i64, scratch_operands = 3 : i64, tpu.core_type = #tpu.core_type<sc_vector_subcore>, window_params = [{transform_indices = #map}, {transform_indices = #map1}, {transform_indices = #map}]} {
    %mul3A = arith.constant 2 : i32
    %mul3A_0 = arith.muli %arg1, %mul3A : i32
    %add3A = arith.addi %mul3A_0, %arg0 : i32
    %mul3A_1 = arith.constant 64 : i32
    %mul3A_2 = arith.muli %add3A, %mul3A_1 : i32
    "tpu.region"() ({
      %run_scoped3A = tpu.sem_alloc : memref<!tpu.dma_semaphore, #tpu.memory_space<semaphore_mem>>
      %dma_start3A_7 = tpu.memref_slice %arg3[%mul3A_2] : memref<2048xi32, #tpu.memory_space<hbm>> -> memref<64xi32, #tpu.memory_space<hbm>>
      %dma_start3A_8 = tpu.memref_slice %arg3[%mul3A_2] : memref<2048xi32, #tpu.memory_space<hbm>> -> memref<64xi32, #tpu.memory_space<hbm>>
      tpu.enqueue_dma source(%dma_start3A_8 : memref<64xi32, #tpu.memory_space<hbm>>) target(%arg5 : memref<64xi32, #tpu.memory_space<vmem>>) target_semaphore(%run_scoped3A : memref<!tpu.dma_semaphore, #tpu.memory_space<semaphore_mem>>)
      %dma_wait3A_9 = tpu.memref_slice %arg3[%mul3A_2] : memref<2048xi32, #tpu.memory_space<hbm>> -> memref<64xi32, #tpu.memory_space<hbm>>
      %dma_wait3A_10 = tpu.memref_slice %arg3[%mul3A_2] : memref<2048xi32, #tpu.memory_space<hbm>> -> memref<64xi32, #tpu.memory_space<hbm>>
      tpu.wait_dma2 semaphore(%run_scoped3A : memref<!tpu.dma_semaphore, #tpu.memory_space<semaphore_mem>>) src(%dma_wait3A_10 : memref<64xi32, #tpu.memory_space<hbm>>) dst(%arg5 : memref<64xi32, #tpu.memory_space<vmem>>)
      tpu.yield
    }) : () -> ()
    %dma_start3A = arith.constant 0 : i32
    %dma_start3A_3 = arith.constant 0 : i32
    %dma_start3A_4 = tpu.memref_slice %arg2[%dma_start3A, %dma_start3A_3] : memref<8192x256xf32, #tpu.memory_space<hbm>> -> memref<8192x256xf32, #tpu.memory_space<hbm>>
    tpu.enqueue_indirect_dma source(%dma_start3A_4 : memref<8192x256xf32, #tpu.memory_space<hbm>>) target(%arg6 : memref<64x256xf32, #tpu.memory_space<vmem>>) offsets(%arg5 : memref<64xi32, #tpu.memory_space<vmem>>) semaphore(%arg7 : memref<!tpu.dma_semaphore, #tpu.memory_space<semaphore_mem>>)
    %dma_wait3A = arith.constant 0 : i32
    %dma_wait3A_5 = arith.constant 0 : i32
    %dma_wait3A_6 = tpu.memref_slice %arg2[%dma_wait3A, %dma_wait3A_5] : memref<8192x256xf32, #tpu.memory_space<hbm>> -> memref<8192x256xf32, #tpu.memory_space<hbm>>
    tpu.wait_indirect_dma semaphore(%arg7 : memref<!tpu.dma_semaphore, #tpu.memory_space<semaphore_mem>>) src(%dma_wait3A_6 : memref<8192x256xf32, #tpu.memory_space<hbm>>) dst(%arg6 : memref<64x256xf32, #tpu.memory_space<vmem>>)
    "tpu.region"() ({
      %run_scoped3A = tpu.sem_alloc : memref<!tpu.dma_semaphore, #tpu.memory_space<semaphore_mem>>
      %dma_start3A_7 = arith.constant 0 : i32
      %dma_start3A_8 = tpu.memref_slice %arg4[%mul3A_2, %dma_start3A_7] : memref<2048x256xf32, #tpu.memory_space<hbm>> -> memref<64x256xf32, #tpu.memory_space<hbm>>
      %dma_start3A_9 = arith.constant 0 : i32
      %dma_start3A_10 = tpu.memref_slice %arg4[%mul3A_2, %dma_start3A_9] : memref<2048x256xf32, #tpu.memory_space<hbm>> -> memref<64x256xf32, #tpu.memory_space<hbm>>
      tpu.enqueue_dma source(%arg6 : memref<64x256xf32, #tpu.memory_space<vmem>>) target(%dma_start3A_10 : memref<64x256xf32, #tpu.memory_space<hbm>>) target_semaphore(%run_scoped3A : memref<!tpu.dma_semaphore, #tpu.memory_space<semaphore_mem>>)
      %dma_wait3A_11 = arith.constant 0 : i32
      %dma_wait3A_12 = tpu.memref_slice %arg4[%mul3A_2, %dma_wait3A_11] : memref<2048x256xf32, #tpu.memory_space<hbm>> -> memref<64x256xf32, #tpu.memory_space<hbm>>
      %dma_wait3A_13 = arith.constant 0 : i32
      %dma_wait3A_14 = tpu.memref_slice %arg4[%mul3A_2, %dma_wait3A_13] : memref<2048x256xf32, #tpu.memory_space<hbm>> -> memref<64x256xf32, #tpu.memory_space<hbm>>
      tpu.wait_dma2 semaphore(%run_scoped3A : memref<!tpu.dma_semaphore, #tpu.memory_space<semaphore_mem>>) src(%arg6 : memref<64x256xf32, #tpu.memory_space<vmem>>) dst(%dma_wait3A_14 : memref<64x256xf32, #tpu.memory_space<hbm>>)
      tpu.yield
    }) : () -> ()
    return
  }
}

module attributes {stable_mosaic.version = 14 : i64} {
  func.func @_dec_body(%arg0: i32, %arg1: memref<256x256xbf16, #tpu.memory_space<vmem>>, %arg2: memref<256x3072xbf16, #tpu.memory_space<vmem>>, %arg3: memref<1x3x512x512xf32, #tpu.memory_space<vmem>>) attributes {dimension_semantics = [#tpu.dimension_semantics<parallel>], iteration_bounds = array<i64: 8>, scalar_prefetch = 0 : i64, scratch_operands = 0 : i64, tpu.core_type = #tpu.core_type<tc>, window_params = [{transform_indices = @transform_0, window_bounds = array<i64: 256, 256>}, {pipeline_mode = #tpu.pipeline_mode<synchronous>, transform_indices = @transform_1, window_bounds = array<i64: 256, 3072>}, {transform_indices = @transform_2, window_bounds = array<i64: 1, 3, 512, 512>}]} {
    %get3A = arith.constant 0 : index
    %get3A_0 = arith.constant 0 : index
    %get3A_1 = vector.load %arg1[%get3A, %get3A_0] : memref<256x256xbf16, #tpu.memory_space<vmem>>, vector<256x256xbf16>
    %get3A_2 = arith.constant 0 : index
    %get3A_3 = arith.constant 0 : index
    %get3A_4 = vector.load %arg2[%get3A_2, %get3A_3] : memref<256x3072xbf16, #tpu.memory_space<vmem>>, vector<256x3072xbf16>
    %dot_general3A = arith.constant dense<0.000000e+00> : vector<256x3072xf32>
    %dot_general3A_5 = tpu.matmul %get3A_1, %get3A_4, %dot_general3A {dimension_numbers = #tpu.dot_dimension_numbers<[1], [0], [0], [1], [0, 0, 1, 1], [], []>, transpose_lhs_hint = false} : vector<256x256xbf16>, vector<256x3072xbf16>, vector<256x3072xf32> -> vector<256x3072xf32>
    %convert_element_type3A = arith.truncf %dot_general3A_5 : vector<256x3072xf32> to vector<256x3072xbf16>
    %reshape3A = vector.shape_cast %convert_element_type3A : vector<256x3072xbf16> to vector<16x16x3x32x32xbf16>
    %transpose3A = tpu.transpose %reshape3A, [2, 0, 3, 1, 4] : vector<16x16x3x32x32xbf16> -> vector<3x16x32x16x32xbf16>
    %reshape3A_6 = vector.shape_cast %transpose3A : vector<3x16x32x16x32xbf16> to vector<1x3x512x512xbf16>
    %convert_element_type3A_7 = arith.extf %reshape3A_6 : vector<1x3x512x512xbf16> to vector<1x3x512x512xf32>
    %swap3A = arith.constant 0 : index
    %swap3A_8 = arith.constant 0 : index
    %swap3A_9 = arith.constant 0 : index
    %swap3A_10 = arith.constant 0 : index
    %swap3A_11 = vector.load %arg3[%swap3A, %swap3A_8, %swap3A_9, %swap3A_10] : memref<1x3x512x512xf32, #tpu.memory_space<vmem>>, vector<1x3x512x512xf32>
    tpu.vector_store %arg3[%swap3A, %swap3A_8, %swap3A_9, %swap3A_10], %convert_element_type3A_7 {strides = array<i32>} : memref<1x3x512x512xf32, #tpu.memory_space<vmem>>, vector<1x3x512x512xf32>,
    return
  }
  func.func @transform_0(%arg0: i32) -> (i32, i32) {
    %c0_i32 = arith.constant 0 : i32
    %c0_i32_0 = arith.constant 0 : i32
    return %arg0, %c0_i32 : i32, i32
  }
  func.func @transform_1(%arg0: i32) -> (i32, i32) {
    %c0_i32 = arith.constant 0 : i32
    %c0_i32_0 = arith.constant 0 : i32
    %c0_i32_1 = arith.constant 0 : i32
    return %c0_i32, %c0_i32_0 : i32, i32
  }
  func.func @transform_2(%arg0: i32) -> (i32, i32, i32, i32) {
    %c0_i32 = arith.constant 0 : i32
    %c0_i32_0 = arith.constant 0 : i32
    %c0_i32_1 = arith.constant 0 : i32
    %c0_i32_2 = arith.constant 0 : i32
    return %arg0, %c0_i32, %c0_i32_0, %c0_i32_1 : i32, i32, i32, i32
  }
}

module attributes {stable_mosaic.version = 14 : i64} {
  func.func @_vq_body(%arg0: i32, %arg1: memref<1x3x512x512xf32, #tpu.memory_space<vmem>>, %arg2: memref<3072x256xf32, #tpu.memory_space<vmem>>, %arg3: memref<8192x256xf32, #tpu.memory_space<vmem>>, %arg4: memref<1x1x256xi32, #tpu.memory_space<vmem>>, %arg5: memref<8192x1xf32, #tpu.memory_space<vmem>>) attributes {dimension_semantics = [#tpu.dimension_semantics<arbitrary>], iteration_bounds = array<i64: 8>, scalar_prefetch = 0 : i64, scratch_operands = 1 : i64, tpu.core_type = #tpu.core_type<tc>, window_params = [{transform_indices = @transform_0, window_bounds = array<i64: 1, 3, 512, 512>}, {pipeline_mode = #tpu.pipeline_mode<synchronous>, transform_indices = @transform_1, window_bounds = array<i64: 3072, 256>}, {pipeline_mode = #tpu.pipeline_mode<synchronous>, transform_indices = @transform_2, window_bounds = array<i64: 8192, 256>}, {transform_indices = @transform_3, window_bounds = array<i64: 1, 1, 256>}]} {
    %get3A = arith.constant 0 : index
    %get3A_0 = arith.constant 0 : index
    %get3A_1 = arith.constant 0 : index
    %get3A_2 = arith.constant 0 : index
    %get3A_3 = vector.load %arg1[%get3A, %get3A_0, %get3A_1, %get3A_2] : memref<1x3x512x512xf32, #tpu.memory_space<vmem>>, vector<1x3x512x512xf32>
    %get3A_4 = vector.shape_cast %get3A_3 : vector<1x3x512x512xf32> to vector<3x512x512xf32>
    %reshape3A = vector.shape_cast %get3A_4 : vector<3x512x512xf32> to vector<3x16x32x16x32xf32>
    %transpose3A = tpu.transpose %reshape3A, [1, 3, 0, 2, 4] : vector<3x16x32x16x32xf32> -> vector<16x16x3x32x32xf32>
    %reshape3A_5 = vector.shape_cast %transpose3A : vector<16x16x3x32x32xf32> to vector<256x3072xf32>
    %get3A_6 = arith.constant 0 : index
    %get3A_7 = arith.constant 0 : index
    %get3A_8 = vector.load %arg2[%get3A_6, %get3A_7] : memref<3072x256xf32, #tpu.memory_space<vmem>>, vector<3072x256xf32>
    %dot_general3A = arith.constant dense<0.000000e+00> : vector<256x256xf32>
    %dot_general3A_9 = tpu.matmul %reshape3A_5, %get3A_8, %dot_general3A {dimension_numbers = #tpu.dot_dimension_numbers<[1], [0], [0], [1], [0, 0, 1, 1], [], []>, transpose_lhs_hint = false} : vector<256x3072xf32>, vector<3072x256xf32>, vector<256x256xf32> -> vector<256x256xf32>
    %eq3A = arith.constant 0 : i32
    %eq3A_10 = arith.cmpi eq, %arg0, %eq3A : i32
    %convert_element_type3A = arith.extui %eq3A_10 : i1 to i32
    %cond3A = arith.constant 0 : i32
    %cond3A_11 = arith.cmpi ne, %convert_element_type3A, %cond3A : i32
    scf.if %cond3A_11 {
      %get3A_257 = arith.constant 0 : index
      %get3A_258 = arith.constant 0 : index
      %get3A_259 = vector.load %arg3[%get3A_257, %get3A_258] : memref<8192x256xf32, #tpu.memory_space<vmem>>, vector<1024x256xf32>
      %mul3A_260 = arith.mulf %get3A_259, %get3A_259 : vector<1024x256xf32>
      %reduce_sum3A = arith.constant dense<0.000000e+00> : vector<1024xf32>
      %reduce_sum3A_261 = vector.multi_reduction <add>, %mul3A_260, %reduce_sum3A [1] : vector<1024x256xf32> to vector<1024xf32>
      %broadcast_in_dim3A_262 = vector.shape_cast %reduce_sum3A_261 : vector<1024xf32> to vector<1024x1xf32>
      %swap3A_263 = arith.constant 0 : index
      %swap3A_264 = arith.constant 0 : index
      %swap3A_265 = vector.load %arg5[%swap3A_263, %swap3A_264] : memref<8192x1xf32, #tpu.memory_space<vmem>>, vector<1024x1xf32>
      tpu.vector_store %arg5[%swap3A_263, %swap3A_264], %broadcast_in_dim3A_262 {strides = array<i32>} : memref<8192x1xf32, #tpu.memory_space<vmem>>, vector<1024x1xf32>,
      %get3A_266 = arith.constant 1024 : index
      %get3A_267 = arith.constant 0 : index
      %get3A_268 = vector.load %arg3[%get3A_266, %get3A_267] : memref<8192x256xf32, #tpu.memory_space<vmem>>, vector<1024x256xf32>
      %mul3A_269 = arith.mulf %get3A_268, %get3A_268 : vector<1024x256xf32>
      %reduce_sum3A_270 = arith.constant dense<0.000000e+00> : vector<1024xf32>
      %reduce_sum3A_271 = vector.multi_reduction <add>, %mul3A_269, %reduce_sum3A_270 [1] : vector<1024x256xf32> to vector<1024xf32>
      %broadcast_in_dim3A_272 = vector.shape_cast %reduce_sum3A_271 : vector<1024xf32> to vector<1024x1xf32>
      %swap3A_273 = arith.constant 1024 : index
      %swap3A_274 = arith.constant 0 : index
      %swap3A_275 = vector.load %arg5[%swap3A_273, %swap3A_274] : memref<8192x1xf32, #tpu.memory_space<vmem>>, vector<1024x1xf32>
      tpu.vector_store %arg5[%swap3A_273, %swap3A_274], %broadcast_in_dim3A_272 {strides = array<i32>} : memref<8192x1xf32, #tpu.memory_space<vmem>>, vector<1024x1xf32>,
      %get3A_276 = arith.constant 2048 : index
      %get3A_277 = arith.constant 0 : index
      %get3A_278 = vector.load %arg3[%get3A_276, %get3A_277] : memref<8192x256xf32, #tpu.memory_space<vmem>>, vector<1024x256xf32>
      %mul3A_279 = arith.mulf %get3A_278, %get3A_278 : vector<1024x256xf32>
      %reduce_sum3A_280 = arith.constant dense<0.000000e+00> : vector<1024xf32>
      %reduce_sum3A_281 = vector.multi_reduction <add>, %mul3A_279, %reduce_sum3A_280 [1] : vector<1024x256xf32> to vector<1024xf32>
      %broadcast_in_dim3A_282 = vector.shape_cast %reduce_sum3A_281 : vector<1024xf32> to vector<1024x1xf32>
      %swap3A_283 = arith.constant 2048 : index
      %swap3A_284 = arith.constant 0 : index
      %swap3A_285 = vector.load %arg5[%swap3A_283, %swap3A_284] : memref<8192x1xf32, #tpu.memory_space<vmem>>, vector<1024x1xf32>
      tpu.vector_store %arg5[%swap3A_283, %swap3A_284], %broadcast_in_dim3A_282 {strides = array<i32>} : memref<8192x1xf32, #tpu.memory_space<vmem>>, vector<1024x1xf32>,
      %get3A_286 = arith.constant 3072 : index
      %get3A_287 = arith.constant 0 : index
      %get3A_288 = vector.load %arg3[%get3A_286, %get3A_287] : memref<8192x256xf32, #tpu.memory_space<vmem>>, vector<1024x256xf32>
      %mul3A_289 = arith.mulf %get3A_288, %get3A_288 : vector<1024x256xf32>
      %reduce_sum3A_290 = arith.constant dense<0.000000e+00> : vector<1024xf32>
      %reduce_sum3A_291 = vector.multi_reduction <add>, %mul3A_289, %reduce_sum3A_290 [1] : vector<1024x256xf32> to vector<1024xf32>
      %broadcast_in_dim3A_292 = vector.shape_cast %reduce_sum3A_291 : vector<1024xf32> to vector<1024x1xf32>
      %swap3A_293 = arith.constant 3072 : index
      %swap3A_294 = arith.constant 0 : index
      %swap3A_295 = vector.load %arg5[%swap3A_293, %swap3A_294] : memref<8192x1xf32, #tpu.memory_space<vmem>>, vector<1024x1xf32>
      tpu.vector_store %arg5[%swap3A_293, %swap3A_294], %broadcast_in_dim3A_292 {strides = array<i32>} : memref<8192x1xf32, #tpu.memory_space<vmem>>, vector<1024x1xf32>,
      %get3A_296 = arith.constant 4096 : index
      %get3A_297 = arith.constant 0 : index
      %get3A_298 = vector.load %arg3[%get3A_296, %get3A_297] : memref<8192x256xf32, #tpu.memory_space<vmem>>, vector<1024x256xf32>
      %mul3A_299 = arith.mulf %get3A_298, %get3A_298 : vector<1024x256xf32>
      %reduce_sum3A_300 = arith.constant dense<0.000000e+00> : vector<1024xf32>
      %reduce_sum3A_301 = vector.multi_reduction <add>, %mul3A_299, %reduce_sum3A_300 [1] : vector<1024x256xf32> to vector<1024xf32>
      %broadcast_in_dim3A_302 = vector.shape_cast %reduce_sum3A_301 : vector<1024xf32> to vector<1024x1xf32>
      %swap3A_303 = arith.constant 4096 : index
      %swap3A_304 = arith.constant 0 : index
      %swap3A_305 = vector.load %arg5[%swap3A_303, %swap3A_304] : memref<8192x1xf32, #tpu.memory_space<vmem>>, vector<1024x1xf32>
      tpu.vector_store %arg5[%swap3A_303, %swap3A_304], %broadcast_in_dim3A_302 {strides = array<i32>} : memref<8192x1xf32, #tpu.memory_space<vmem>>, vector<1024x1xf32>,
      %get3A_306 = arith.constant 5120 : index
      %get3A_307 = arith.constant 0 : index
      %get3A_308 = vector.load %arg3[%get3A_306, %get3A_307] : memref<8192x256xf32, #tpu.memory_space<vmem>>, vector<1024x256xf32>
      %mul3A_309 = arith.mulf %get3A_308, %get3A_308 : vector<1024x256xf32>
      %reduce_sum3A_310 = arith.constant dense<0.000000e+00> : vector<1024xf32>
      %reduce_sum3A_311 = vector.multi_reduction <add>, %mul3A_309, %reduce_sum3A_310 [1] : vector<1024x256xf32> to vector<1024xf32>
      %broadcast_in_dim3A_312 = vector.shape_cast %reduce_sum3A_311 : vector<1024xf32> to vector<1024x1xf32>
      %swap3A_313 = arith.constant 5120 : index
      %swap3A_314 = arith.constant 0 : index
      %swap3A_315 = vector.load %arg5[%swap3A_313, %swap3A_314] : memref<8192x1xf32, #tpu.memory_space<vmem>>, vector<1024x1xf32>
      tpu.vector_store %arg5[%swap3A_313, %swap3A_314], %broadcast_in_dim3A_312 {strides = array<i32>} : memref<8192x1xf32, #tpu.memory_space<vmem>>, vector<1024x1xf32>,
      %get3A_316 = arith.constant 6144 : index
      %get3A_317 = arith.constant 0 : index
      %get3A_318 = vector.load %arg3[%get3A_316, %get3A_317] : memref<8192x256xf32, #tpu.memory_space<vmem>>, vector<1024x256xf32>
      %mul3A_319 = arith.mulf %get3A_318, %get3A_318 : vector<1024x256xf32>
      %reduce_sum3A_320 = arith.constant dense<0.000000e+00> : vector<1024xf32>
      %reduce_sum3A_321 = vector.multi_reduction <add>, %mul3A_319, %reduce_sum3A_320 [1] : vector<1024x256xf32> to vector<1024xf32>
      %broadcast_in_dim3A_322 = vector.shape_cast %reduce_sum3A_321 : vector<1024xf32> to vector<1024x1xf32>
      %swap3A_323 = arith.constant 6144 : index
      %swap3A_324 = arith.constant 0 : index
      %swap3A_325 = vector.load %arg5[%swap3A_323, %swap3A_324] : memref<8192x1xf32, #tpu.memory_space<vmem>>, vector<1024x1xf32>
      tpu.vector_store %arg5[%swap3A_323, %swap3A_324], %broadcast_in_dim3A_322 {strides = array<i32>} : memref<8192x1xf32, #tpu.memory_space<vmem>>, vector<1024x1xf32>,
      %get3A_326 = arith.constant 7168 : index
      %get3A_327 = arith.constant 0 : index
      %get3A_328 = vector.load %arg3[%get3A_326, %get3A_327] : memref<8192x256xf32, #tpu.memory_space<vmem>>, vector<1024x256xf32>
      %mul3A_329 = arith.mulf %get3A_328, %get3A_328 : vector<1024x256xf32>
      %reduce_sum3A_330 = arith.constant dense<0.000000e+00> : vector<1024xf32>
      %reduce_sum3A_331 = vector.multi_reduction <add>, %mul3A_329, %reduce_sum3A_330 [1] : vector<1024x256xf32> to vector<1024xf32>
      %broadcast_in_dim3A_332 = vector.shape_cast %reduce_sum3A_331 : vector<1024xf32> to vector<1024x1xf32>
      %swap3A_333 = arith.constant 7168 : index
      %swap3A_334 = arith.constant 0 : index
      %swap3A_335 = vector.load %arg5[%swap3A_333, %swap3A_334] : memref<8192x1xf32, #tpu.memory_space<vmem>>, vector<1024x1xf32>
      tpu.vector_store %arg5[%swap3A_333, %swap3A_334], %broadcast_in_dim3A_332 {strides = array<i32>} : memref<8192x1xf32, #tpu.memory_space<vmem>>, vector<1024x1xf32>,
    } else {
    }
    %broadcast_in_dim3A = arith.constant 0x7F800000 : f32
    %broadcast_in_dim3A_12 = vector.broadcast %broadcast_in_dim3A : f32 to vector<1x256xf32>
    %broadcast_in_dim3A_13 = arith.constant 0 : i32
    %broadcast_in_dim3A_14 = vector.broadcast %broadcast_in_dim3A_13 : i32 to vector<1x256xi32>
    %get3A_15 = arith.constant 0 : index
    %get3A_16 = arith.constant 0 : index
    %get3A_17 = vector.load %arg3[%get3A_15, %get3A_16] : memref<8192x256xf32, #tpu.memory_space<vmem>>, vector<1024x256xf32>
    %dot_general3A_18 = arith.constant dense<0.000000e+00> : vector<1024x256xf32>
    %dot_general3A_19 = tpu.matmul %get3A_17, %dot_general3A_9, %dot_general3A_18 {dimension_numbers = #tpu.dot_dimension_numbers<[1], [1], [0], [0], [0, 0, 1, 0], [], []>, transpose_lhs_hint = false} : vector<1024x256xf32>, vector<256x256xf32>, vector<1024x256xf32> -> vector<1024x256xf32>
    %get3A_20 = arith.constant 0 : index
    %get3A_21 = arith.constant 0 : index
    %get3A_22 = vector.load %arg5[%get3A_20, %get3A_21] : memref<8192x1xf32, #tpu.memory_space<vmem>>, vector<1024x1xf32>
    %mul3A = arith.constant 2.000000e+00 : f32
    %mul3A_23 = vector.broadcast %mul3A : f32 to vector<1024x256xf32>
    %mul3A_24 = arith.mulf %mul3A_23, %dot_general3A_19 : vector<1024x256xf32>
    %sub3A = vector.broadcast %get3A_22 : vector<1024x1xf32> to vector<1024x256xf32>
    %sub3A_25 = arith.subf %sub3A, %mul3A_24 : vector<1024x256xf32>
    %reduce_min3A = arith.constant dense<0x7F800000> : vector<256xf32>
    %reduce_min3A_26 = vector.multi_reduction <minimumf>, %sub3A_25, %reduce_min3A [0] : vector<1024x256xf32> to vector<256xf32>
    %broadcast_in_dim3A_27 = vector.shape_cast %reduce_min3A_26 : vector<256xf32> to vector<1x256xf32>
    %iota3A = tpu.iota {dimensions = array<i32: 0>} : vector<1024x256xi32>
    %le3A = vector.broadcast %broadcast_in_dim3A_27 : vector<1x256xf32> to vector<1024x256xf32>
    %le3A_28 = arith.cmpf ole, %sub3A_25, %le3A : vector<1024x256xf32>
    %jit3A = arith.constant 8192 : i32
    %broadcast_in_dim3A_29 = vector.broadcast %jit3A : i32 to vector<1024x256xi32>
    %select_n3A = arith.select %le3A_28, %iota3A, %broadcast_in_dim3A_29 : vector<1024x256xi1>, vector<1024x256xi32>
    %reduce_min3A_30 = arith.constant dense<2147483647> : vector<256xi32>
    %reduce_min3A_31 = vector.multi_reduction <minsi>, %select_n3A, %reduce_min3A_30 [0] : vector<1024x256xi32> to vector<256xi32>
    %broadcast_in_dim3A_32 = vector.shape_cast %reduce_min3A_31 : vector<256xi32> to vector<1x256xi32>
    %add3A = arith.constant 0 : i32
    %add3A_33 = vector.broadcast %add3A : i32 to vector<1x256xi32>
    %add3A_34 = arith.addi %broadcast_in_dim3A_32, %add3A_33 : vector<1x256xi32>
    %lt3A = arith.cmpf olt, %broadcast_in_dim3A_27, %broadcast_in_dim3A_12 : vector<1x256xf32>
    %select_n3A_35 = arith.select %lt3A, %add3A_34, %broadcast_in_dim3A_14 : vector<1x256xi1>, vector<1x256xi32>
    %select_n3A_36 = arith.select %lt3A, %broadcast_in_dim3A_27, %broadcast_in_dim3A_12 : vector<1x256xi1>, vector<1x256xf32>
    %get3A_37 = arith.constant 1024 : index
    %get3A_38 = arith.constant 0 : index
    %get3A_39 = vector.load %arg3[%get3A_37, %get3A_38] : memref<8192x256xf32, #tpu.memory_space<vmem>>, vector<1024x256xf32>
    %dot_general3A_40 = arith.constant dense<0.000000e+00> : vector<1024x256xf32>
    %dot_general3A_41 = tpu.matmul %get3A_39, %dot_general3A_9, %dot_general3A_40 {dimension_numbers = #tpu.dot_dimension_numbers<[1], [1], [0], [0], [0, 0, 1, 0], [], []>, transpose_lhs_hint = false} : vector<1024x256xf32>, vector<256x256xf32>, vector<1024x256xf32> -> vector<1024x256xf32>
    %get3A_42 = arith.constant 1024 : index
    %get3A_43 = arith.constant 0 : index
    %get3A_44 = vector.load %arg5[%get3A_42, %get3A_43] : memref<8192x1xf32, #tpu.memory_space<vmem>>, vector<1024x1xf32>
    %mul3A_45 = arith.constant 2.000000e+00 : f32
    %mul3A_46 = vector.broadcast %mul3A_45 : f32 to vector<1024x256xf32>
    %mul3A_47 = arith.mulf %mul3A_46, %dot_general3A_41 : vector<1024x256xf32>
    %sub3A_48 = vector.broadcast %get3A_44 : vector<1024x1xf32> to vector<1024x256xf32>
    %sub3A_49 = arith.subf %sub3A_48, %mul3A_47 : vector<1024x256xf32>
    %reduce_min3A_50 = arith.constant dense<0x7F800000> : vector<256xf32>
    %reduce_min3A_51 = vector.multi_reduction <minimumf>, %sub3A_49, %reduce_min3A_50 [0] : vector<1024x256xf32> to vector<256xf32>
    %broadcast_in_dim3A_52 = vector.shape_cast %reduce_min3A_51 : vector<256xf32> to vector<1x256xf32>
    %iota3A_53 = tpu.iota {dimensions = array<i32: 0>} : vector<1024x256xi32>
    %le3A_54 = vector.broadcast %broadcast_in_dim3A_52 : vector<1x256xf32> to vector<1024x256xf32>
    %le3A_55 = arith.cmpf ole, %sub3A_49, %le3A_54 : vector<1024x256xf32>
    %jit3A_56 = arith.constant 8192 : i32
    %broadcast_in_dim3A_57 = vector.broadcast %jit3A_56 : i32 to vector<1024x256xi32>
    %select_n3A_58 = arith.select %le3A_55, %iota3A_53, %broadcast_in_dim3A_57 : vector<1024x256xi1>, vector<1024x256xi32>
    %reduce_min3A_59 = arith.constant dense<2147483647> : vector<256xi32>
    %reduce_min3A_60 = vector.multi_reduction <minsi>, %select_n3A_58, %reduce_min3A_59 [0] : vector<1024x256xi32> to vector<256xi32>
    %broadcast_in_dim3A_61 = vector.shape_cast %reduce_min3A_60 : vector<256xi32> to vector<1x256xi32>
    %add3A_62 = arith.constant 1024 : i32
    %add3A_63 = vector.broadcast %add3A_62 : i32 to vector<1x256xi32>
    %add3A_64 = arith.addi %broadcast_in_dim3A_61, %add3A_63 : vector<1x256xi32>
    %lt3A_65 = arith.cmpf olt, %broadcast_in_dim3A_52, %select_n3A_36 : vector<1x256xf32>
    %select_n3A_66 = arith.select %lt3A_65, %add3A_64, %select_n3A_35 : vector<1x256xi1>, vector<1x256xi32>
    %select_n3A_67 = arith.select %lt3A_65, %broadcast_in_dim3A_52, %select_n3A_36 : vector<1x256xi1>, vector<1x256xf32>
    %get3A_68 = arith.constant 2048 : index
    %get3A_69 = arith.constant 0 : index
    %get3A_70 = vector.load %arg3[%get3A_68, %get3A_69] : memref<8192x256xf32, #tpu.memory_space<vmem>>, vector<1024x256xf32>
    %dot_general3A_71 = arith.constant dense<0.000000e+00> : vector<1024x256xf32>
    %dot_general3A_72 = tpu.matmul %get3A_70, %dot_general3A_9, %dot_general3A_71 {dimension_numbers = #tpu.dot_dimension_numbers<[1], [1], [0], [0], [0, 0, 1, 0], [], []>, transpose_lhs_hint = false} : vector<1024x256xf32>, vector<256x256xf32>, vector<1024x256xf32> -> vector<1024x256xf32>
    %get3A_73 = arith.constant 2048 : index
    %get3A_74 = arith.constant 0 : index
    %get3A_75 = vector.load %arg5[%get3A_73, %get3A_74] : memref<8192x1xf32, #tpu.memory_space<vmem>>, vector<1024x1xf32>
    %mul3A_76 = arith.constant 2.000000e+00 : f32
    %mul3A_77 = vector.broadcast %mul3A_76 : f32 to vector<1024x256xf32>
    %mul3A_78 = arith.mulf %mul3A_77, %dot_general3A_72 : vector<1024x256xf32>
    %sub3A_79 = vector.broadcast %get3A_75 : vector<1024x1xf32> to vector<1024x256xf32>
    %sub3A_80 = arith.subf %sub3A_79, %mul3A_78 : vector<1024x256xf32>
    %reduce_min3A_81 = arith.constant dense<0x7F800000> : vector<256xf32>
    %reduce_min3A_82 = vector.multi_reduction <minimumf>, %sub3A_80, %reduce_min3A_81 [0] : vector<1024x256xf32> to vector<256xf32>
    %broadcast_in_dim3A_83 = vector.shape_cast %reduce_min3A_82 : vector<256xf32> to vector<1x256xf32>
    %iota3A_84 = tpu.iota {dimensions = array<i32: 0>} : vector<1024x256xi32>
    %le3A_85 = vector.broadcast %broadcast_in_dim3A_83 : vector<1x256xf32> to vector<1024x256xf32>
    %le3A_86 = arith.cmpf ole, %sub3A_80, %le3A_85 : vector<1024x256xf32>
    %jit3A_87 = arith.constant 8192 : i32
    %broadcast_in_dim3A_88 = vector.broadcast %jit3A_87 : i32 to vector<1024x256xi32>
    %select_n3A_89 = arith.select %le3A_86, %iota3A_84, %broadcast_in_dim3A_88 : vector<1024x256xi1>, vector<1024x256xi32>
    %reduce_min3A_90 = arith.constant dense<2147483647> : vector<256xi32>
    %reduce_min3A_91 = vector.multi_reduction <minsi>, %select_n3A_89, %reduce_min3A_90 [0] : vector<1024x256xi32> to vector<256xi32>
    %broadcast_in_dim3A_92 = vector.shape_cast %reduce_min3A_91 : vector<256xi32> to vector<1x256xi32>
    %add3A_93 = arith.constant 2048 : i32
    %add3A_94 = vector.broadcast %add3A_93 : i32 to vector<1x256xi32>
    %add3A_95 = arith.addi %broadcast_in_dim3A_92, %add3A_94 : vector<1x256xi32>
    %lt3A_96 = arith.cmpf olt, %broadcast_in_dim3A_83, %select_n3A_67 : vector<1x256xf32>
    %select_n3A_97 = arith.select %lt3A_96, %add3A_95, %select_n3A_66 : vector<1x256xi1>, vector<1x256xi32>
    %select_n3A_98 = arith.select %lt3A_96, %broadcast_in_dim3A_83, %select_n3A_67 : vector<1x256xi1>, vector<1x256xf32>
    %get3A_99 = arith.constant 3072 : index
    %get3A_100 = arith.constant 0 : index
    %get3A_101 = vector.load %arg3[%get3A_99, %get3A_100] : memref<8192x256xf32, #tpu.memory_space<vmem>>, vector<1024x256xf32>
    %dot_general3A_102 = arith.constant dense<0.000000e+00> : vector<1024x256xf32>
    %dot_general3A_103 = tpu.matmul %get3A_101, %dot_general3A_9, %dot_general3A_102 {dimension_numbers = #tpu.dot_dimension_numbers<[1], [1], [0], [0], [0, 0, 1, 0], [], []>, transpose_lhs_hint = false} : vector<1024x256xf32>, vector<256x256xf32>, vector<1024x256xf32> -> vector<1024x256xf32>
    %get3A_104 = arith.constant 3072 : index
    %get3A_105 = arith.constant 0 : index
    %get3A_106 = vector.load %arg5[%get3A_104, %get3A_105] : memref<8192x1xf32, #tpu.memory_space<vmem>>, vector<1024x1xf32>
    %mul3A_107 = arith.constant 2.000000e+00 : f32
    %mul3A_108 = vector.broadcast %mul3A_107 : f32 to vector<1024x256xf32>
    %mul3A_109 = arith.mulf %mul3A_108, %dot_general3A_103 : vector<1024x256xf32>
    %sub3A_110 = vector.broadcast %get3A_106 : vector<1024x1xf32> to vector<1024x256xf32>
    %sub3A_111 = arith.subf %sub3A_110, %mul3A_109 : vector<1024x256xf32>
    %reduce_min3A_112 = arith.constant dense<0x7F800000> : vector<256xf32>
    %reduce_min3A_113 = vector.multi_reduction <minimumf>, %sub3A_111, %reduce_min3A_112 [0] : vector<1024x256xf32> to vector<256xf32>
    %broadcast_in_dim3A_114 = vector.shape_cast %reduce_min3A_113 : vector<256xf32> to vector<1x256xf32>
    %iota3A_115 = tpu.iota {dimensions = array<i32: 0>} : vector<1024x256xi32>
    %le3A_116 = vector.broadcast %broadcast_in_dim3A_114 : vector<1x256xf32> to vector<1024x256xf32>
    %le3A_117 = arith.cmpf ole, %sub3A_111, %le3A_116 : vector<1024x256xf32>
    %jit3A_118 = arith.constant 8192 : i32
    %broadcast_in_dim3A_119 = vector.broadcast %jit3A_118 : i32 to vector<1024x256xi32>
    %select_n3A_120 = arith.select %le3A_117, %iota3A_115, %broadcast_in_dim3A_119 : vector<1024x256xi1>, vector<1024x256xi32>
    %reduce_min3A_121 = arith.constant dense<2147483647> : vector<256xi32>
    %reduce_min3A_122 = vector.multi_reduction <minsi>, %select_n3A_120, %reduce_min3A_121 [0] : vector<1024x256xi32> to vector<256xi32>
    %broadcast_in_dim3A_123 = vector.shape_cast %reduce_min3A_122 : vector<256xi32> to vector<1x256xi32>
    %add3A_124 = arith.constant 3072 : i32
    %add3A_125 = vector.broadcast %add3A_124 : i32 to vector<1x256xi32>
    %add3A_126 = arith.addi %broadcast_in_dim3A_123, %add3A_125 : vector<1x256xi32>
    %lt3A_127 = arith.cmpf olt, %broadcast_in_dim3A_114, %select_n3A_98 : vector<1x256xf32>
    %select_n3A_128 = arith.select %lt3A_127, %add3A_126, %select_n3A_97 : vector<1x256xi1>, vector<1x256xi32>
    %select_n3A_129 = arith.select %lt3A_127, %broadcast_in_dim3A_114, %select_n3A_98 : vector<1x256xi1>, vector<1x256xf32>
    %get3A_130 = arith.constant 4096 : index
    %get3A_131 = arith.constant 0 : index
    %get3A_132 = vector.load %arg3[%get3A_130, %get3A_131] : memref<8192x256xf32, #tpu.memory_space<vmem>>, vector<1024x256xf32>
    %dot_general3A_133 = arith.constant dense<0.000000e+00> : vector<1024x256xf32>
    %dot_general3A_134 = tpu.matmul %get3A_132, %dot_general3A_9, %dot_general3A_133 {dimension_numbers = #tpu.dot_dimension_numbers<[1], [1], [0], [0], [0, 0, 1, 0], [], []>, transpose_lhs_hint = false} : vector<1024x256xf32>, vector<256x256xf32>, vector<1024x256xf32> -> vector<1024x256xf32>
    %get3A_135 = arith.constant 4096 : index
    %get3A_136 = arith.constant 0 : index
    %get3A_137 = vector.load %arg5[%get3A_135, %get3A_136] : memref<8192x1xf32, #tpu.memory_space<vmem>>, vector<1024x1xf32>
    %mul3A_138 = arith.constant 2.000000e+00 : f32
    %mul3A_139 = vector.broadcast %mul3A_138 : f32 to vector<1024x256xf32>
    %mul3A_140 = arith.mulf %mul3A_139, %dot_general3A_134 : vector<1024x256xf32>
    %sub3A_141 = vector.broadcast %get3A_137 : vector<1024x1xf32> to vector<1024x256xf32>
    %sub3A_142 = arith.subf %sub3A_141, %mul3A_140 : vector<1024x256xf32>
    %reduce_min3A_143 = arith.constant dense<0x7F800000> : vector<256xf32>
    %reduce_min3A_144 = vector.multi_reduction <minimumf>, %sub3A_142, %reduce_min3A_143 [0] : vector<1024x256xf32> to vector<256xf32>
    %broadcast_in_dim3A_145 = vector.shape_cast %reduce_min3A_144 : vector<256xf32> to vector<1x256xf32>
    %iota3A_146 = tpu.iota {dimensions = array<i32: 0>} : vector<1024x256xi32>
    %le3A_147 = vector.broadcast %broadcast_in_dim3A_145 : vector<1x256xf32> to vector<1024x256xf32>
    %le3A_148 = arith.cmpf ole, %sub3A_142, %le3A_147 : vector<1024x256xf32>
    %jit3A_149 = arith.constant 8192 : i32
    %broadcast_in_dim3A_150 = vector.broadcast %jit3A_149 : i32 to vector<1024x256xi32>
    %select_n3A_151 = arith.select %le3A_148, %iota3A_146, %broadcast_in_dim3A_150 : vector<1024x256xi1>, vector<1024x256xi32>
    %reduce_min3A_152 = arith.constant dense<2147483647> : vector<256xi32>
    %reduce_min3A_153 = vector.multi_reduction <minsi>, %select_n3A_151, %reduce_min3A_152 [0] : vector<1024x256xi32> to vector<256xi32>
    %broadcast_in_dim3A_154 = vector.shape_cast %reduce_min3A_153 : vector<256xi32> to vector<1x256xi32>
    %add3A_155 = arith.constant 4096 : i32
    %add3A_156 = vector.broadcast %add3A_155 : i32 to vector<1x256xi32>
    %add3A_157 = arith.addi %broadcast_in_dim3A_154, %add3A_156 : vector<1x256xi32>
    %lt3A_158 = arith.cmpf olt, %broadcast_in_dim3A_145, %select_n3A_129 : vector<1x256xf32>
    %select_n3A_159 = arith.select %lt3A_158, %add3A_157, %select_n3A_128 : vector<1x256xi1>, vector<1x256xi32>
    %select_n3A_160 = arith.select %lt3A_158, %broadcast_in_dim3A_145, %select_n3A_129 : vector<1x256xi1>, vector<1x256xf32>
    %get3A_161 = arith.constant 5120 : index
    %get3A_162 = arith.constant 0 : index
    %get3A_163 = vector.load %arg3[%get3A_161, %get3A_162] : memref<8192x256xf32, #tpu.memory_space<vmem>>, vector<1024x256xf32>
    %dot_general3A_164 = arith.constant dense<0.000000e+00> : vector<1024x256xf32>
    %dot_general3A_165 = tpu.matmul %get3A_163, %dot_general3A_9, %dot_general3A_164 {dimension_numbers = #tpu.dot_dimension_numbers<[1], [1], [0], [0], [0, 0, 1, 0], [], []>, transpose_lhs_hint = false} : vector<1024x256xf32>, vector<256x256xf32>, vector<1024x256xf32> -> vector<1024x256xf32>
    %get3A_166 = arith.constant 5120 : index
    %get3A_167 = arith.constant 0 : index
    %get3A_168 = vector.load %arg5[%get3A_166, %get3A_167] : memref<8192x1xf32, #tpu.memory_space<vmem>>, vector<1024x1xf32>
    %mul3A_169 = arith.constant 2.000000e+00 : f32
    %mul3A_170 = vector.broadcast %mul3A_169 : f32 to vector<1024x256xf32>
    %mul3A_171 = arith.mulf %mul3A_170, %dot_general3A_165 : vector<1024x256xf32>
    %sub3A_172 = vector.broadcast %get3A_168 : vector<1024x1xf32> to vector<1024x256xf32>
    %sub3A_173 = arith.subf %sub3A_172, %mul3A_171 : vector<1024x256xf32>
    %reduce_min3A_174 = arith.constant dense<0x7F800000> : vector<256xf32>
    %reduce_min3A_175 = vector.multi_reduction <minimumf>, %sub3A_173, %reduce_min3A_174 [0] : vector<1024x256xf32> to vector<256xf32>
    %broadcast_in_dim3A_176 = vector.shape_cast %reduce_min3A_175 : vector<256xf32> to vector<1x256xf32>
    %iota3A_177 = tpu.iota {dimensions = array<i32: 0>} : vector<1024x256xi32>
    %le3A_178 = vector.broadcast %broadcast_in_dim3A_176 : vector<1x256xf32> to vector<1024x256xf32>
    %le3A_179 = arith.cmpf ole, %sub3A_173, %le3A_178 : vector<1024x256xf32>
    %jit3A_180 = arith.constant 8192 : i32
    %broadcast_in_dim3A_181 = vector.broadcast %jit3A_180 : i32 to vector<1024x256xi32>
    %select_n3A_182 = arith.select %le3A_179, %iota3A_177, %broadcast_in_dim3A_181 : vector<1024x256xi1>, vector<1024x256xi32>
    %reduce_min3A_183 = arith.constant dense<2147483647> : vector<256xi32>
    %reduce_min3A_184 = vector.multi_reduction <minsi>, %select_n3A_182, %reduce_min3A_183 [0] : vector<1024x256xi32> to vector<256xi32>
    %broadcast_in_dim3A_185 = vector.shape_cast %reduce_min3A_184 : vector<256xi32> to vector<1x256xi32>
    %add3A_186 = arith.constant 5120 : i32
    %add3A_187 = vector.broadcast %add3A_186 : i32 to vector<1x256xi32>
    %add3A_188 = arith.addi %broadcast_in_dim3A_185, %add3A_187 : vector<1x256xi32>
    %lt3A_189 = arith.cmpf olt, %broadcast_in_dim3A_176, %select_n3A_160 : vector<1x256xf32>
    %select_n3A_190 = arith.select %lt3A_189, %add3A_188, %select_n3A_159 : vector<1x256xi1>, vector<1x256xi32>
    %select_n3A_191 = arith.select %lt3A_189, %broadcast_in_dim3A_176, %select_n3A_160 : vector<1x256xi1>, vector<1x256xf32>
    %get3A_192 = arith.constant 6144 : index
    %get3A_193 = arith.constant 0 : index
    %get3A_194 = vector.load %arg3[%get3A_192, %get3A_193] : memref<8192x256xf32, #tpu.memory_space<vmem>>, vector<1024x256xf32>
    %dot_general3A_195 = arith.constant dense<0.000000e+00> : vector<1024x256xf32>
    %dot_general3A_196 = tpu.matmul %get3A_194, %dot_general3A_9, %dot_general3A_195 {dimension_numbers = #tpu.dot_dimension_numbers<[1], [1], [0], [0], [0, 0, 1, 0], [], []>, transpose_lhs_hint = false} : vector<1024x256xf32>, vector<256x256xf32>, vector<1024x256xf32> -> vector<1024x256xf32>
    %get3A_197 = arith.constant 6144 : index
    %get3A_198 = arith.constant 0 : index
    %get3A_199 = vector.load %arg5[%get3A_197, %get3A_198] : memref<8192x1xf32, #tpu.memory_space<vmem>>, vector<1024x1xf32>
    %mul3A_200 = arith.constant 2.000000e+00 : f32
    %mul3A_201 = vector.broadcast %mul3A_200 : f32 to vector<1024x256xf32>
    %mul3A_202 = arith.mulf %mul3A_201, %dot_general3A_196 : vector<1024x256xf32>
    %sub3A_203 = vector.broadcast %get3A_199 : vector<1024x1xf32> to vector<1024x256xf32>
    %sub3A_204 = arith.subf %sub3A_203, %mul3A_202 : vector<1024x256xf32>
    %reduce_min3A_205 = arith.constant dense<0x7F800000> : vector<256xf32>
    %reduce_min3A_206 = vector.multi_reduction <minimumf>, %sub3A_204, %reduce_min3A_205 [0] : vector<1024x256xf32> to vector<256xf32>
    %broadcast_in_dim3A_207 = vector.shape_cast %reduce_min3A_206 : vector<256xf32> to vector<1x256xf32>
    %iota3A_208 = tpu.iota {dimensions = array<i32: 0>} : vector<1024x256xi32>
    %le3A_209 = vector.broadcast %broadcast_in_dim3A_207 : vector<1x256xf32> to vector<1024x256xf32>
    %le3A_210 = arith.cmpf ole, %sub3A_204, %le3A_209 : vector<1024x256xf32>
    %jit3A_211 = arith.constant 8192 : i32
    %broadcast_in_dim3A_212 = vector.broadcast %jit3A_211 : i32 to vector<1024x256xi32>
    %select_n3A_213 = arith.select %le3A_210, %iota3A_208, %broadcast_in_dim3A_212 : vector<1024x256xi1>, vector<1024x256xi32>
    %reduce_min3A_214 = arith.constant dense<2147483647> : vector<256xi32>
    %reduce_min3A_215 = vector.multi_reduction <minsi>, %select_n3A_213, %reduce_min3A_214 [0] : vector<1024x256xi32> to vector<256xi32>
    %broadcast_in_dim3A_216 = vector.shape_cast %reduce_min3A_215 : vector<256xi32> to vector<1x256xi32>
    %add3A_217 = arith.constant 6144 : i32
    %add3A_218 = vector.broadcast %add3A_217 : i32 to vector<1x256xi32>
    %add3A_219 = arith.addi %broadcast_in_dim3A_216, %add3A_218 : vector<1x256xi32>
    %lt3A_220 = arith.cmpf olt, %broadcast_in_dim3A_207, %select_n3A_191 : vector<1x256xf32>
    %select_n3A_221 = arith.select %lt3A_220, %add3A_219, %select_n3A_190 : vector<1x256xi1>, vector<1x256xi32>
    %select_n3A_222 = arith.select %lt3A_220, %broadcast_in_dim3A_207, %select_n3A_191 : vector<1x256xi1>, vector<1x256xf32>
    %get3A_223 = arith.constant 7168 : index
    %get3A_224 = arith.constant 0 : index
    %get3A_225 = vector.load %arg3[%get3A_223, %get3A_224] : memref<8192x256xf32, #tpu.memory_space<vmem>>, vector<1024x256xf32>
    %dot_general3A_226 = arith.constant dense<0.000000e+00> : vector<1024x256xf32>
    %dot_general3A_227 = tpu.matmul %get3A_225, %dot_general3A_9, %dot_general3A_226 {dimension_numbers = #tpu.dot_dimension_numbers<[1], [1], [0], [0], [0, 0, 1, 0], [], []>, transpose_lhs_hint = false} : vector<1024x256xf32>, vector<256x256xf32>, vector<1024x256xf32> -> vector<1024x256xf32>
    %get3A_228 = arith.constant 7168 : index
    %get3A_229 = arith.constant 0 : index
    %get3A_230 = vector.load %arg5[%get3A_228, %get3A_229] : memref<8192x1xf32, #tpu.memory_space<vmem>>, vector<1024x1xf32>
    %mul3A_231 = arith.constant 2.000000e+00 : f32
    %mul3A_232 = vector.broadcast %mul3A_231 : f32 to vector<1024x256xf32>
    %mul3A_233 = arith.mulf %mul3A_232, %dot_general3A_227 : vector<1024x256xf32>
    %sub3A_234 = vector.broadcast %get3A_230 : vector<1024x1xf32> to vector<1024x256xf32>
    %sub3A_235 = arith.subf %sub3A_234, %mul3A_233 : vector<1024x256xf32>
    %reduce_min3A_236 = arith.constant dense<0x7F800000> : vector<256xf32>
    %reduce_min3A_237 = vector.multi_reduction <minimumf>, %sub3A_235, %reduce_min3A_236 [0] : vector<1024x256xf32> to vector<256xf32>
    %broadcast_in_dim3A_238 = vector.shape_cast %reduce_min3A_237 : vector<256xf32> to vector<1x256xf32>
    %iota3A_239 = tpu.iota {dimensions = array<i32: 0>} : vector<1024x256xi32>
    %le3A_240 = vector.broadcast %broadcast_in_dim3A_238 : vector<1x256xf32> to vector<1024x256xf32>
    %le3A_241 = arith.cmpf ole, %sub3A_235, %le3A_240 : vector<1024x256xf32>
    %jit3A_242 = arith.constant 8192 : i32
    %broadcast_in_dim3A_243 = vector.broadcast %jit3A_242 : i32 to vector<1024x256xi32>
    %select_n3A_244 = arith.select %le3A_241, %iota3A_239, %broadcast_in_dim3A_243 : vector<1024x256xi1>, vector<1024x256xi32>
    %reduce_min3A_245 = arith.constant dense<2147483647> : vector<256xi32>
    %reduce_min3A_246 = vector.multi_reduction <minsi>, %select_n3A_244, %reduce_min3A_245 [0] : vector<1024x256xi32> to vector<256xi32>
    %broadcast_in_dim3A_247 = vector.shape_cast %reduce_min3A_246 : vector<256xi32> to vector<1x256xi32>
    %add3A_248 = arith.constant 7168 : i32
    %add3A_249 = vector.broadcast %add3A_248 : i32 to vector<1x256xi32>
    %add3A_250 = arith.addi %broadcast_in_dim3A_247, %add3A_249 : vector<1x256xi32>
    %lt3A_251 = arith.cmpf olt, %broadcast_in_dim3A_238, %select_n3A_222 : vector<1x256xf32>
    %select_n3A_252 = arith.select %lt3A_251, %add3A_250, %select_n3A_221 : vector<1x256xi1>, vector<1x256xi32>
    %reshape3A_253 = vector.shape_cast %select_n3A_252 : vector<1x256xi32> to vector<1x1x256xi32>
    %swap3A = arith.constant 0 : index
    %swap3A_254 = arith.constant 0 : index
    %swap3A_255 = arith.constant 0 : index
    %swap3A_256 = vector.load %arg4[%swap3A, %swap3A_254, %swap3A_255] : memref<1x1x256xi32, #tpu.memory_space<vmem>>, vector<1x1x256xi32>
    tpu.vector_store %arg4[%swap3A, %swap3A_254, %swap3A_255], %reshape3A_253 {strides = array<i32>} : memref<1x1x256xi32, #tpu.memory_space<vmem>>, vector<1x1x256xi32>,
    return
  }
  func.func @transform_0(%arg0: i32) -> (i32, i32, i32, i32) {
    %c0_i32 = arith.constant 0 : i32
    %c0_i32_0 = arith.constant 0 : i32
    %c0_i32_1 = arith.constant 0 : i32
    %c0_i32_2 = arith.constant 0 : i32
    return %arg0, %c0_i32, %c0_i32_0, %c0_i32_1 : i32, i32, i32, i32
  }
  func.func @transform_1(%arg0: i32) -> (i32, i32) {
    %c0_i32 = arith.constant 0 : i32
    %c0_i32_0 = arith.constant 0 : i32
    %c0_i32_1 = arith.constant 0 : i32
    return %c0_i32, %c0_i32_0 : i32, i32
  }
  func.func @transform_2(%arg0: i32) -> (i32, i32) {
    %c0_i32 = arith.constant 0 : i32
    %c0_i32_0 = arith.constant 0 : i32
    %c0_i32_1 = arith.constant 0 : i32
    return %c0_i32, %c0_i32_0 : i32, i32
  }
  func.func @transform_3(%arg0: i32) -> (i32, i32, i32) {
    %c0_i32 = arith.constant 0 : i32
    %c0_i32_0 = arith.constant 0 : i32
    %c0_i32_1 = arith.constant 0 : i32
    return %arg0, %c0_i32, %c0_i32_0 : i32, i32, i32
  }
}

</mosaic_0001>

<sc_bundles>
// kernel: kernel.5.cloned.1.call-start
scs
__scs_entry_jumppad:
0x0: {  	(pc) =	sbr.rel $0x88, $3  }
0x1: {  	(tag) =	ssettag $0x0;
	lr =	simm.s32 $0x1  }
0x2: {  	[smem:$0x3F9D] =	sst lr;
	_ =	strace $0xD0000000  }
0x3: {  	_ = 	snop  }
0x4: {  	_ = 	snop  }
0x5: {  	_ = 	snop  }
0x6: {  	_ = 	snop  }
0x7: {  	_ = 	snop  }
__scs_overlays_trampoline_lowered:
0x8: {  	[smem:$0x3FAC] =	sst s0  }
0x9: {  	[smem:$0x3FAD] =	sst s1  }
0xa: {  	[smem:$0x3FAE] =	sst s2  }
0xb: {  	[smem:$0x3FAF] =	sst s3  }
0xc: {  	[smem:$0x3FB0] =	sst s4  }
0xd: {  	[smem:$0x3FB1] =	sst s5  }
0xe: {  	[smem:$0x3FB2] =	sst s6  }
0xf: {  	[smem:$0x3FB3] =	sst s7  }
0x10: {  	[smem:$0x3FB4] =	sst s8  }
0x11: {  	[smem:$0x3FB5] =	sst s9;
	s0 =	simm.s32 @!p0 $0x0  }
0x12: {  	s1 =	sld [smem:$0x3F9B];
	s0 =	simm.s32 @p0 $0x1  }
0x13: {  	[smem:$0x3FB6] =	sst s0;
	s0 =	simm.s32 @!p1 $0x0  }
0x14: {  	s2 =	sld [smem:$0x3F9A];
	s0 =	simm.s32 @p1 $0x1  }
0x15: {  	[smem:$0x3FB7] =	sst s0;
	s0 =	simm.s32 @!p2 $0x0  }
0x16: {  	s3 =	sld [smem:$0x3FDB];
	s0 =	simm.s32 @p2 $0x1  }
0x17: {  	s4 =	simm.s32 $0x1BF5;
	[smem:$0x3FB9] =	sst s0  }
0x18: {  	s0 =	sld [smem:$0x3F9C];
	_ =	swait.ge [sflag:s4], $0x0  }
0x19: {  	s7 =	sld [smem:$0x3F9D]  }
0x1a: {  	s8 =	sadd.s32 $0xFFFFE003, lr  }
0x1b: {  	s9 =	sadd.s32 $0xFFFFFEF7, lr;
	s5 =	simm.s32 $0xFFFFFFFF;
	p2 =	slt.u32 s8, $0xFFFFF086  }
0x1c: {  	p1 =	slt.u32 s9, $0xF7A;
	s5 =	simm.s32 @!p2 $0x0  }
0x1d: {  	s5 =	simm.s32 @p1 $0x1;
	p0 =	seq.s32 s7, s2  }
0x1e: {  	s7 =	smul.u32 @!p0 $0xF7A, s2;
	p2 =	seq.s32 @!p0 s5, $0x0  }
0x1f: {  	s9 =	smul.u32 $0xF7A, s1;
	s8 =	simm.s32 @!p0 $0x1BF5;
	p2 =	por !p2, p0  }
0x20: {  	[sflag:s8] =	ssyncset.s32 @!p0 $0xFFFFF086;
	s6 =	sadd.s32 @!p0 s3, s7;
	s7 =	simm.s32 @!p0 $0x108  }
0x21: {  	s3 =	sadd.s32 s3, s9;
	s6 =	sadd.s32 @!p0 $0x88, s6;
	s7 =	simm.s32 @p2 $0x1082  }
0x22: {  	[simem:s7], [sflag:s8] =	dma.local @!p0 [hbm:s6], $0xF7A  }
0x23: {  	s9 =	sor.u32 $0xD0000000, s2;
	s6 =	simm.s32 $0x108;
	_ =	swait.ge @!p0 [sflag:s8], $0x0  }
0x24: {  	s3 =	sadd.s32 $0x88, s3;
	s6 =	simm.s32 @!p1 $0x1082;
	[sflag:s4] =	ssyncset.s32 $0xFFFFF086  }
0x25: {  	[simem:s6], [sflag:s4] =	dma.local [hbm:s3], $0xF7A  }
0x26: {  	[smem:$0x3F9D] =	sst s1;
	(tag) =	ssettag s2;
	_ =	strace s9  }
0x27: {  	s1 =	sld [smem:$0x3FAD]  }
0x28: {  	s2 =	sld [smem:$0x3FAE]  }
0x29: {  	s4 =	sld [smem:$0x3FB0]  }
0x2a: {  	p0 =	seq.s32 s5, $0x0;
	s5 =	sld [smem:$0x3FB1]  }
0x2b: {  	s6 =	sld [smem:$0x3FB2]  }
0x2c: {  	s7 =	sld [smem:$0x3FB3]  }
0x2d: {  	s3 =	simm.s32 $0x108;
	s8 =	sld [smem:$0x3FB4]  }
0x2e: {  	s3 =	simm.s32 @!p0 $0x1082;
	s9 =	sld [smem:$0x3FB5]  }
0x2f: {  	lr =	sadd.s32 s0, s3;
	s0 =	sld [smem:$0x3FAC]  }
0x30: {  	s3 =	sld [smem:$0x3FAF]  }
0x31: {  	[smem:$0x3FB8] =	sst s10  }
0x32: {  	s10 =	sld [smem:$0x3FB6];
	_ =	sdelay $0x3  }
0x33: {  	p0 =	seq.s32 s10, $0x1;
	s10 =	sld [smem:$0x3FB8];
	_ =	sdelay $0x3  }
0x34: {  	[smem:$0x3FB8] =	sst s10  }
0x35: {  	s10 =	sld [smem:$0x3FB7];
	_ =	sdelay $0x3  }
0x36: {  	p1 =	seq.s32 s10, $0x1;
	s10 =	sld [smem:$0x3FB8];
	_ =	sdelay $0x3  }
0x37: {  	[smem:$0x3FB8] =	sst s10  }
0x38: {  	s10 =	sld [smem:$0x3FB9]  }
0x39: {  	_ = 	snop;
	(pc) =	sbr.ind lr, $3  }
0x3a: {  	_ = 	snop  }
0x3b: {  	_ = 	snop  }
0x3c: {  	p2 =	seq.s32 s10, $0x1;
	s10 =	sld [smem:$0x3FB8]  }
0x3d: {  	_ =	shalt  }
0x3e: {  	_ =	shalt  }
0x3f: {  	_ =	shalt  }
0x40: {  	_ =	shalt  }
0x41: {  	_ =	shalt  }
0x42: {  	_ =	shalt  }
0x43: {  	_ =	shalt  }
0x44: {  	_ =	shalt  }
0x45: {  	_ =	shalt  }
0x46: {  	_ =	shalt  }
0x47: {  	_ =	shalt  }
0x48: {  	_ =	shalt  }
0x49: {  	_ =	shalt  }
0x4a: {  	_ =	shalt  }
0x4b: {  	_ =	shalt  }
0x4c: {  	_ =	shalt  }
0x4d: {  	_ =	shalt  }
0x4e: {  	_ =	shalt  }
0x4f: {  	_ =	shalt  }
0x50: {  	_ =	shalt  }
0x51: {  	_ =	shalt  }
0x52: {  	_ =	shalt  }
0x53: {  	_ =	shalt  }
0x54: {  	_ =	shalt  }
0x55: {  	_ =	shalt  }
0x56: {  	_ =	shalt  }
0x57: {  	_ =	shalt  }
0x58: {  	_ =	shalt  }
0x59: {  	_ =	shalt  }
0x5a: {  	_ =	shalt  }
0x5b: {  	_ =	shalt  }
0x5c: {  	_ =	shalt  }
0x5d: {  	_ =	shalt  }
0x5e: {  	_ =	shalt  }
0x5f: {  	_ =	shalt  }
0x60: {  	_ =	shalt  }
0x61: {  	_ =	shalt  }
0x62: {  	_ =	shalt  }
0x63: {  	_ =	shalt  }
0x64: {  	_ =	shalt  }
0x65: {  	_ =	shalt  }
0x66: {  	_ =	shalt  }
0x67: {  	_ =	shalt  }
0x68: {  	_ =	shalt  }
0x69: {  	_ =	shalt  }
0x6a: {  	_ =	shalt  }
0x6b: {  	_ =	shalt  }
0x6c: {  	_ =	shalt  }
0x6d: {  	_ =	shalt  }
0x6e: {  	_ =	shalt  }
0x6f: {  	_ =	shalt  }
0x70: {  	_ =	shalt  }
0x71: {  	_ =	shalt  }
0x72: {  	_ =	shalt  }
0x73: {  	_ =	shalt  }
0x74: {  	_ =	shalt  }
0x75: {  	_ =	shalt  }
0x76: {  	_ =	shalt  }
0x77: {  	_ =	shalt  }
0x78: {  	_ =	shalt  }
0x79: {  	_ =	shalt  }
0x7a: {  	_ =	shalt  }
0x7b: {  	_ =	shalt  }
0x7c: {  	_ =	shalt  }
0x7d: {  	_ =	shalt  }
0x7e: {  	_ =	shalt  }
0x7f: {  	_ =	shalt  }
0x80: {  	_ =	shalt  }
0x81: {  	_ =	shalt  }
0x82: {  	_ =	shalt  }
0x83: {  	_ =	shalt  }
0x84: {  	_ =	shalt  }
0x85: {  	_ =	shalt  }
0x86: {  	_ =	shalt  }
0x87: {  	_ =	shalt  }
.Lfunc_end0:
.L_simem_size_0:
called_computation_lowered:
.L_overlay_start_0:
0x88: {  	s2 =	sld [smem:$0x3FD9]  }
0x89: {  	s3 =	sld [smem:$0x3FFE];
	_ =	sdelay $0x1  }
0x8a: {  	s1 =	srdreg.scid  }
0x8b: {  	s0 =	sand.u32 $0x1, s1  }
0x8c: {  	s17 =	sshll.u32 s0, $0xA;
	s2 =	sadd.s32 s3, s2  }
0x8d: {  	s2 =	sadd.s32 s2, s17  }
0x8e: {  	[smem:$0x3FC4] =	sst s2  }
0x8f: {  	_ = 	snop  }
0x90: {  	s2 =	sld [smem:$0x3FC7]  }
0x91: {  	s18 =	sld [smem:$0x3FD0];
	(tm) =	ssettm $0x1  }
0x92: {  	s4 =	sld [smem:$0x3FFB];
	_ =	sdelay $0x3  }
0x93: {  	_ =	strace s4  }
0x94: {  	s4 =	sld [smem:$0x3FFC];
	_ =	sdelay $0x3  }
0x95: {  	_ =	strace s4  }
0x96: {  	s4 =	sld [smem:$0x3FFD];
	_ =	sdelay $0x3  }
0x97: {  	_ =	strace s4  }
0x98: {  	_ =	strace $0x8FFFFFFF  }
0x99: {  	s19 =	sld [smem:$0x3FDB];
	_ =	sdelay $0x1  }
0x9a: {  	s5 =	simm.s32 $_scs_section_size  }
0x9b: {  	s6 =	simm.s32 $_size__tile_overlayer_lowered;
	s7 =	simm.s32 $_tile_overlayer_lowered  }
0x9c: {  	s22 =	simm.s32 $0x1BFF;
	s21 =	sshll.u32 s7, $0x1;
	s4 =	sadd.s32 s5, s19  }
0x9d: {  	s8 =	simm.s32 $0x0;
	s20 =	sshll.u32 s6, $0x1;
	s6 =	sadd.s32 s21, s4  }
0x9e: {  	[timem:s8], [sflag:s22] =	dma.local [hbm:s6], s20  }
0x9f: {  	_ =	swait.ge [sflag:s22], s20  }
0xa0: {  	s5 =	ssub.s32 $0x0, s20;
	[sflag:s22] =	ssyncset.done $0x0  }
0xa1: {  	[sflag:s22] =	ssyncadd.s32 s5;
	_ =	sdelay $0x1  }
0xa2: {  	s23 =	simm.s32 $0x1B8B  }
0xa3: {  	_ =	swait.ge [sflag:s23], $0x1  }
0xa4: {  	[sflag:s23] =	ssyncset.done $0x0  }
0xa5: {  	s25 =	simm.s32 $0x1B8E;
	s24 =	sld [smem:$0x3FFE];
	[sflag:s23] =	ssyncadd.s32 $0xFFFFFFFF  }
0xa6: {  	s26 =	simm.s32 $execute0_lowered;
	[smem:$0x3FD2] =	sst s25  }
0xa7: {  	s6 =	sshll.u32 s26, $0x1;
	_ =	strace $0x80000046;
	[dreg:$0x1] =	wrdreg $0xFFFFFFFF  }
0xa8: {  	s28 =	simm.s32 $_size_execute0_lowered;
	s4 =	sadd.s32 s4, s6;
	[dreg:$0x0] =	wrdreg $0x0  }
0xa9: {  	s6 =	sshll.u32 s28, $0x1;
	[dreg:$0x2] =	wrdreg s4  }
0xaa: {  	[dreg:$0x3] =	wrdreg s6  }
0xab: {  	[dreg:$0x4] =	wrdreg $0xC0  }
0xac: {  	_ =	task [dreg:s8], $0x5FFFF  }
0xad: {  	[dreg:$0x1] =	wrdreg $0xFFFFFFFF  }
0xae: {  	[dreg:$0x0] =	wrdreg $0x60  }
0xaf: {  	[dreg:$0x2] =	wrdreg s2  }
0xb0: {  	[dreg:$0x3] =	wrdreg s24  }
0xb1: {  	[dreg:$0x4] =	wrdreg s18  }
0xb2: {  	[dreg:$0x5] =	wrdreg $0x9  }
0xb3: {  	_ =	task.clear_ibuf [dreg:s8], $0x6FFFF;
	_ =	strace $0x90000046  }
0xb4: {  	s29 =	simm.s32 $0x9;
	_ =	strace $0x80000048  }
0xb5: {  	_ =	swait.ge [sflag:s29], $0x1  }
0xb6: {  	[sflag:s29] =	ssyncadd.s32 $0xFFFFFFFF  }
0xb7: {  	_ =	strace $0x90000048  }
0xb8: {  	_ =	sfence  }
0xb9: {  	s30 =	sld [smem:$0x0];
	_ =	sdelay $0x2  }
0xba: {  	s31 =	sshll.u32 s1, $0xD;
	s1 =	sshrl.u32 s1, $0x2  }
0xbb: {  	s3 =	sand.u32 $0x4000, s31;
	s1 =	sadd.s32 s1, s30  }
0xbc: {  	s0 =	sor.u32 s3, s0;
	s1 =	sshll.u32 s1, $0x11  }
0xbd: {  	s0 =	sor.u32 s1, s0  }
0xbe: {  	s0 =	sadd.s32 $0x8F2B, s0  }
0xbf: {  	[sflag:s0] =	ssyncadd.remote.s32 $0x1  }
0xc0: {  	_ =	sfence.sel $0xFFFF  }
0xc1: {  	[dreg:$0x0] =	wrdreg $0xFFFFFFFF;
	(pc) =	sbr.abs _section_cstart, $3  }
0xc2: {  	[dreg:$0x1] =	wrdreg $0xFFFFFFFF  }
0xc3: {  	_ =	task.clear_ibuf [dreg:s8], $0x2FFFF;
	_ =	strace $0x9FFFFFFF  }
0xc4: {  	(tm) =	ssettm $0x7FFFFFFF  }
0xc5: {  	_ =	shalt  }
tec
execute0_lowered:
.L_overlay_start_1:
0x0: {  	(tag) =	ssettag $0x1  }
0x1: {  	s1 =	rddreg [dreg:$0x0]  }
0x2: {  	s2 =	srdreg.scid;
	s4 =	rddreg [dreg:$0x1]  }
0x3: {  	s0 =	stileid.u32;
	s6 =	rddreg [dreg:$0x2]  }
0x4: {  	s3 =	simm.s32 $0x0;
	s9 =	simm.s32 $0x880;
	s10 =	simm.s32 $0x1080  }
0x5: {  	s11 =	simm.s32 $0x1880;
	s12 =	simm.s32 $0x2080;
	s13 =	simm.s32 $0x2880  }
0x6: {  	s14 =	simm.s32 $0x3080;
	s15 =	simm.s32 $0x3880;
	s16 =	simm.s32 $0x1  }
0x7: {  	s5 =	sand.u32 $0x1, s2;
	s7 =	sshll.u32 s0, $0x7;
	s2 =	rddreg [dreg:$0x3]  }
0x8: {  	[smem:$0x7FF] =	sst s3;
	s8 =	sshll.u32 s5, $0x6;
	s5 =	ssub.s32 $0x2, s5  }
0x9: {  	_ =	strace $0x80000047;
	s7 =	sor.u32 s8, s7;
	s30 =	sshrl.u32 s5, $0x1  }
0xa: {  	v2 =	vlaneseq.u32;
	s8 =	sshrl.u32 s7, $0x3;
	s31 =	sshll.u32 s7, $0x5;
	s7 =	simm.s32 $0x2  }
0xb: {  	vm0 =	vmmov $0xffff;
	v1 =	vshrl.u32 v2, $0x3;
	s4 =	sadd.s32 s8, s4;
	s8 =	ssub.s32 s5, s30;
	s5 =	sadd.s32 s6, s31  }
0xc: {  	v0 =	vand.u32 $0x7, v2;
	v2 =	vor.u32 $0x8, v2;
	v1 =	vmul.u32 $0x8, v1;
	s4 =	sadd.s32 $0xC00, s4;
	s6 =	smax.u32 s8, $0x1;
	s8 =	simm.s32 $0x80  }
.LBB2_1:
0xd: {  	[tilespmem:s3], [sflag:$0x2] =	stream.linear.gather [hbm4b:s4+s3], $0x40, $0x38;
	[tilespmem:$0x4080] =	vst v63  }
0xe: {  	_ =	swait.ge [sflag:s7], $0x40  }
0xf: {  	[sflag:s7] =	ssyncset.done $0x0  }
0x10: {  	[sflag:s7] =	ssyncadd.s32 $0xFFFFFFC0  }
0x11: {  	v3 =	vld [tilespmem:$0x0];
	_ =	sdelay $0x4  }
0x12: {  	v4 =	vshll.u32 v3, $0x1  }
0x13: {  	v3 =	vand.u32 $0x7, v3;
	v4 =	vand.u32 $0xFFFFFFF0, v4  }
0x14: {  	v3 =	vor.u32 v3, v4  }
0x15: {  	v4 =	vperm.xlane v3, v0;
	_ =	sdelay $0x1  }
0x16: {  	v3 =	vperm.xlane v3, v2;
	v4 =	vadd.s32 v1, v4;
	_ =	sdelay $0x1  }
0x17: {  	v3 =	vadd.s32 v1, v3;
	_ =	sdelay $0x2  }
0x18: {  	[tilespmem:s8], [sflag:$0x1] =	stream.indirect_vreg.gather [hbm4b:s1+s3], $0x80, v4, vm0, $0xb8;
	[tilespmem:$0x4080] =	vst v63  }
0x19: {  	_ = 	snop  }
0x1a: {  	[tilespmem:s9], [sflag:$0x1] =	stream.indirect_vreg.gather [hbm4b:s1+s3], $0x80, v3, vm0, $0xb8;
	[tilespmem:$0x4080] =	vst v63  }
0x1b: {  	v3 =	vld [tilespmem:$0x10];
	_ =	sdelay $0x4  }
0x1c: {  	v61 =	vshll.u32 v3, $0x1  }
0x1d: {  	v3 =	vand.u32 $0x7, v3;
	v4 =	vand.u32 $0xFFFFFFF0, v61  }
0x1e: {  	v3 =	vor.u32 v3, v4  }
0x1f: {  	v4 =	vperm.xlane v3, v0;
	_ =	sdelay $0x1  }
0x20: {  	v3 =	vperm.xlane v3, v2;
	v4 =	vadd.s32 v1, v4;
	_ =	sdelay $0x1  }
0x21: {  	v3 =	vadd.s32 v1, v3;
	_ =	sdelay $0x2  }
0x22: {  	[tilespmem:s10], [sflag:$0x1] =	stream.indirect_vreg.gather [hbm4b:s1+s3], $0x80, v4, vm0, $0xb8;
	[tilespmem:$0x4080] =	vst v63  }
0x23: {  	_ = 	snop  }
0x24: {  	[tilespmem:s11], [sflag:$0x1] =	stream.indirect_vreg.gather [hbm4b:s1+s3], $0x80, v3, vm0, $0xb8;
	[tilespmem:$0x4080] =	vst v63  }
0x25: {  	v3 =	vld [tilespmem:$0x20];
	_ =	sdelay $0x4  }
0x26: {  	v62 =	vshll.u32 v3, $0x1  }
0x27: {  	v3 =	vand.u32 $0x7, v3;
	v4 =	vand.u32 $0xFFFFFFF0, v62  }
0x28: {  	v3 =	vor.u32 v3, v4  }
0x29: {  	v4 =	vperm.xlane v3, v0;
	_ =	sdelay $0x1  }
0x2a: {  	v3 =	vperm.xlane v3, v2;
	v4 =	vadd.s32 v1, v4;
	_ =	sdelay $0x1  }
0x2b: {  	v3 =	vadd.s32 v1, v3;
	_ =	sdelay $0x2  }
0x2c: {  	[tilespmem:s12], [sflag:$0x1] =	stream.indirect_vreg.gather [hbm4b:s1+s3], $0x80, v4, vm0, $0xb8;
	[tilespmem:$0x4080] =	vst v63  }
0x2d: {  	_ = 	snop  }
0x2e: {  	[tilespmem:s13], [sflag:$0x1] =	stream.indirect_vreg.gather [hbm4b:s1+s3], $0x80, v3, vm0, $0xb8;
	[tilespmem:$0x4080] =	vst v63  }
0x2f: {  	v3 =	vld [tilespmem:$0x30];
	_ =	sdelay $0x4  }
0x30: {  	v63 =	vshll.u32 v3, $0x1  }
0x31: {  	v3 =	vand.u32 $0x7, v3;
	v4 =	vand.u32 $0xFFFFFFF0, v63  }
0x32: {  	v3 =	vor.u32 v3, v4  }
0x33: {  	v4 =	vperm.xlane v3, v0;
	_ =	sdelay $0x1  }
0x34: {  	v3 =	vperm.xlane v3, v2;
	v4 =	vadd.s32 v1, v4;
	_ =	sdelay $0x1  }
0x35: {  	v3 =	vadd.s32 v1, v3;
	_ =	sdelay $0x2  }
0x36: {  	[tilespmem:s14], [sflag:$0x1] =	stream.indirect_vreg.gather [hbm4b:s1+s3], $0x80, v4, vm0, $0xb8;
	[tilespmem:$0x4080] =	vst v63  }
0x37: {  	_ = 	snop  }
0x38: {  	[tilespmem:s15], [sflag:$0x1] =	stream.indirect_vreg.gather [hbm4b:s1+s3], $0x80, v3, vm0, $0xb8;
	[tilespmem:$0x4080] =	vst v63  }
0x39: {  	_ =	swait.ge [sflag:s16], $0x4000  }
0x3a: {  	p0 =	sne.s32 s6, $0x1;
	[sflag:s16] =	ssyncset.done $0x0  }
.Ltmp0:
0x3b: {  	[sflag:s16] =	ssyncadd.s32 $0xFFFFC000;
	(pc) =	sbr.rel @p0 .LBB2_1-.Ltmp0, $4  }
0x3c: {  	[hbm4b:s5+s3] =	stream.linear.scatter [tilespmem:s8], [sflag:$0x2], $0x4000, $0x38;
	[tilespmem:$0x4080] =	vst v63  }
0x3d: {  	_ =	swait.ge [sflag:s7], $0x4000  }
0x3e: {  	[sflag:s7] =	ssyncset.done $0x0  }
0x3f: {  	s6 =	sadd.s32 $0xFFFFFFFF, s6;
	[sflag:s7] =	ssyncadd.s32 $0xFFFFC000  }
0x40: {  	_ =	sfence.sel $0x180000  }
0x41: {  	[bflag:$0x0] =	sbarrier.arrive $0xFFFF  }
0x42: {  	p0 =	sne.s32 s0, $0x0;
	_ =	strace $0x90000047  }
0x43: {  	s0 =	sadd.s32 @!p0 $0x100000, s2;
	[bflag:$0x2] =	sbarrier.arrive $0xFFFF  }
0x44: {  	[sflag:s0] =	ssyncadd.tile.s32 @!p0 $0x1;
	_ =	shalt  }
.Lfunc_end2:
_tile_overlayer_lowered:
.L_overlay_start_2:
0x45: {  	(tag) =	ssettag $0x2  }
0x46: {  	s0 =	rddreg [dreg:$0x0];
	s2 =	stileid.u32  }
0x47: {  	s1 =	rddreg [dreg:$0x1];
	p0 =	sne.s32 s2, $0x0  }
0x48: {  	s3 =	rddreg [dreg:$0x2];
	[bflag:$0x3] =	sbarrier.arrive $0xFFFF;
	s2 =	simm.s32 @!p0 $0x1C02  }
0x49: {  	[timem:s3], [sflag:s2] =	dma.local @!p0 [hbm:s0], s1  }
0x4a: {  	s0 =	simm.s32 @!p0 $0x2  }
0x4b: {  	_ =	swait.ge @!p0 [sflag:s0], s1  }
0x4c: {  	s1 =	ssub.s32 @!p0 $0x0, s1;
	[sflag:s0] =	ssyncset.done @!p0 $0x0  }
0x4d: {  	[sflag:s0] =	ssyncadd.s32 @!p0 s1  }
0x4e: {  	[bflag:$0x3] =	sbarrier.arrive $0xFFFF  }
0x4f: {  	_ =	shalt  }

</sc_bundles>
